<compile_context>
chip_gen: v7x
topology: tpu7x:2x2x1
jax: 0.10.2.dev20260603
libtpu: 0.0.44.dev20260713+nightly
codegen_flags: <defaults>
</compile_context>

<pallas_src>
import functools

import jax
import jax.numpy as jnp
from jax import lax
from jax.experimental import pallas as pl
from jax.experimental.pallas import tpu as pltpu
from jax.experimental.pallas import tpu_sc as plsc

_B, _S, _E = 4, 8192, 768
_NW = 32
_SUB = 32
_NTB = 3

_S_SC = 1024
_S0 = _S - _S_SC

_mesh = plsc.VectorSubcoreMesh(core_axis_name="c", subcore_axis_name="s")


def _make_sc_add(s_sc, s0):
    rpw = s_sc // _NW
    nch = rpw // _SUB
    nst = nch * _B

    @functools.partial(
        pl.kernel,
        mesh=_mesh,
        out_type=jax.ShapeDtypeStruct((_B * s_sc, _E), jnp.float32),
        scratch_types=(
            [pltpu.VMEM((_SUB, _E), jnp.float32) for _ in range(2)]
            + [pltpu.VMEM((_SUB, _E), jnp.float32) for _ in range(_NTB)]
            + [
                pltpu.SemaphoreType.DMA,
                pltpu.SemaphoreType.DMA,
                pltpu.SemaphoreType.DMA,
            ]
        ),
    )
    def _sc_add(tok_hbm, pos_hbm, out_hbm, pbuf0, pbuf1, tbuf0, tbuf1, tbuf2,
                psem, tsem, osem):
        pbuf = [pbuf0, pbuf1]
        tbuf = [tbuf0, tbuf1, tbuf2]
        wid = lax.axis_index("s") * 2 + lax.axis_index("c")
        w0 = wid * rpw

        def rows(t):
            c, b = divmod(t, _B)
            return (b * _S + s0 + w0 + c * _SUB,
                    b * s_sc + w0 + c * _SUB)

        def load_tok(t):
            return pltpu.async_copy(
                tok_hbm.at[pl.ds(rows(t)[0], _SUB)], tbuf[t % _NTB], tsem)

        def load_pos(c):
            return pltpu.async_copy(
                pos_hbm.at[pl.ds(s0 + w0 + c * _SUB, _SUB)], pbuf[c % 2], psem)

        pos_d = [load_pos(0)]
        tok_d = [load_tok(t) for t in range(_NTB - 1)]
        store_d = []

        for t in range(nst):
            c, b = divmod(t, _B)
            if b == 0:
                pos_d.pop(0).wait()
                if c + 1 < nch:
                    pos_d.append(load_pos(c + 1))
            tok_d.pop(0).wait()
            tb = tbuf[t % _NTB]
            pb = pbuf[c % 2]

            def row_body(r, carry):
                @plsc.parallel_loop(0, _E, 16, unroll=8)
                def _row_add(i):
                    sl = pl.ds(i, 16)
                    plsc.addupdate(tb.at[r, sl], pb[r, sl])
                return carry

            lax.fori_loop(0, _SUB, row_body, 0)

            store_d.append(pltpu.async_copy(
                tb, out_hbm.at[pl.ds(rows(t)[1], _SUB)], osem))
            if t + _NTB - 1 < nst:
                if len(store_d) > 1:
                    store_d.pop(0).wait()
                tok_d.append(load_tok(t + _NTB - 1))

        for d in store_d:
            d.wait()

    return _sc_add


_sc_add = _make_sc_add(_S_SC, _S0)


def _tc_body(tok_ref, pos_ref, out_ref):
    out_ref[...] = tok_ref[...] + pos_ref[...][None, :, :]


def kernel(token_embedding, src_mask, pos_embedding):
    B, S, E = token_embedding.shape
    BS = 1792
    tc_out = pl.pallas_call(
        _tc_body,
        grid=(_S0 // BS, B),
        in_specs=[
            pl.BlockSpec((1, BS, E), lambda s, b: (b, s, 0)),
            pl.BlockSpec((BS, E), lambda s, b: (s, 0)),
        ],
        out_specs=pl.BlockSpec((1, BS, E), lambda s, b: (b, s, 0)),
        out_shape=jax.ShapeDtypeStruct((B, S, E), token_embedding.dtype),
    )(token_embedding, pos_embedding[:S])

    sc_out = _sc_add(token_embedding.reshape(B * S, E), pos_embedding[:S])
    return lax.dynamic_update_slice(
        tc_out, sc_out.reshape(B, _S_SC, E), (0, _S0, 0))

# --- scband reference (transcript-rebuilt; emitter-appended) ---
"""Pipeline reference for scband-positional-encoding-8933531976295 (READ-ONLY COPY).

The authoritative reference and input builder live on the scoring server;
editing this copy changes nothing except your own understanding.
"""

import jax, jax.numpy as jnp
import numpy as np

MAXLEN = 8192
EMB = 768

def setup_inputs(seed: int = 0) -> dict:
    key = jax.random.key(seed)
    k1, k2 = jax.random.split(key)
    token_embedding = jax.random.normal(k1, (4, 8192, EMB), dtype=jnp.float32)
    src_mask = jnp.zeros((4, 8192), dtype=bool)
    pos_embedding = jax.random.normal(k2, (MAXLEN, EMB), dtype=jnp.float32) * 0.02
    return {"token_embedding": token_embedding, "src_mask": src_mask, "pos_embedding": pos_embedding}

def reference(token_embedding, src_mask, pos_embedding):
    # PositionalEncoding.forward: token_embedding + pos_embedding.weight[:S, :]
    # Dropout is identity in eval mode. src_mask is unused by the module.
    S = token_embedding.shape[1]
    pos = jax.lax.dynamic_slice_in_dim(pos_embedding, 0, S, axis=0)
    out = token_embedding + pos[None, :, :]
    return out

if __name__ == "__main__":
    import jax
    _d = setup_inputs()
    print(jax.jit(kernel)(*tuple(_d.values())))

</pallas_src>

<mosaic_0001>
#map = affine_map<(d0, d1) -> (0, 0)>
module attributes {stable_mosaic.version = 14 : i64} {
  func.func @_sc_add(%arg0: i32, %arg1: i32, %arg2: memref<32768x768xf32, #tpu.memory_space<hbm>>, %arg3: memref<8192x768xf32, #tpu.memory_space<hbm>>, %arg4: memref<4096x768xf32, #tpu.memory_space<hbm>>, %arg5: memref<32x768xf32, #tpu.memory_space<vmem>>, %arg6: memref<32x768xf32, #tpu.memory_space<vmem>>, %arg7: memref<32x768xf32, #tpu.memory_space<vmem>>, %arg8: memref<32x768xf32, #tpu.memory_space<vmem>>, %arg9: memref<32x768xf32, #tpu.memory_space<vmem>>, %arg10: memref<!tpu.dma_semaphore, #tpu.memory_space<semaphore_mem>>, %arg11: memref<!tpu.dma_semaphore, #tpu.memory_space<semaphore_mem>>, %arg12: memref<!tpu.dma_semaphore, #tpu.memory_space<semaphore_mem>>) attributes {dimension_semantics = [#tpu.dimension_semantics<core_parallel>, #tpu.dimension_semantics<subcore_parallel>], iteration_bounds = array<i64: 2, 16>, scalar_prefetch = 0 : i64, scratch_operands = 8 : i64, tpu.core_type = #tpu.core_type<sc_vector_subcore>, window_params = [{transform_indices = #map}, {transform_indices = #map}, {transform_indices = #map}]} {
    %mul3A = arith.constant 2 : i32
    %mul3A_0 = arith.muli %arg1, %mul3A : i32
    %add3A = arith.addi %mul3A_0, %arg0 : i32
    %mul3A_1 = arith.constant 32 : i32
    %mul3A_2 = arith.muli %add3A, %mul3A_1 : i32
    %add3A_3 = arith.constant 7168 : i32
    %add3A_4 = arith.addi %add3A_3, %mul3A_2 : i32
    %add3A_5 = arith.constant 0 : i32
    %add3A_6 = arith.addi %add3A_4, %add3A_5 : i32
    %dma_start3A = arith.constant 0 : i32
    %dma_start3A_7 = tpu.memref_slice %arg3[%add3A_6, %dma_start3A] : memref<8192x768xf32, #tpu.memory_space<hbm>> -> memref<32x768xf32, #tpu.memory_space<hbm>>
    %dma_start3A_8 = arith.constant 0 : i32
    %dma_start3A_9 = tpu.memref_slice %arg3[%add3A_6, %dma_start3A_8] : memref<8192x768xf32, #tpu.memory_space<hbm>> -> memref<32x768xf32, #tpu.memory_space<hbm>>
    tpu.enqueue_dma source(%dma_start3A_9 : memref<32x768xf32, #tpu.memory_space<hbm>>) target(%arg5 : memref<32x768xf32, #tpu.memory_space<vmem>>) target_semaphore(%arg10 : memref<!tpu.dma_semaphore, #tpu.memory_space<semaphore_mem>>)
    %add3A_10 = arith.constant 7168 : i32
    %add3A_11 = arith.addi %add3A_10, %mul3A_2 : i32
    %add3A_12 = arith.constant 0 : i32
    %add3A_13 = arith.addi %add3A_11, %add3A_12 : i32
    %add3A_14 = arith.constant 0 : i32
    %add3A_15 = arith.addi %add3A_14, %mul3A_2 : i32
    %add3A_16 = arith.constant 0 : i32
    %add3A_17 = arith.addi %add3A_15, %add3A_16 : i32
    %dma_start3A_18 = arith.constant 0 : i32
    %dma_start3A_19 = tpu.memref_slice %arg2[%add3A_13, %dma_start3A_18] : memref<32768x768xf32, #tpu.memory_space<hbm>> -> memref<32x768xf32, #tpu.memory_space<hbm>>
    %dma_start3A_20 = arith.constant 0 : i32
    %dma_start3A_21 = tpu.memref_slice %arg2[%add3A_13, %dma_start3A_20] : memref<32768x768xf32, #tpu.memory_space<hbm>> -> memref<32x768xf32, #tpu.memory_space<hbm>>
    tpu.enqueue_dma source(%dma_start3A_21 : memref<32x768xf32, #tpu.memory_space<hbm>>) target(%arg7 : memref<32x768xf32, #tpu.memory_space<vmem>>) target_semaphore(%arg11 : memref<!tpu.dma_semaphore, #tpu.memory_space<semaphore_mem>>)
    %add3A_22 = arith.constant 15360 : i32
    %add3A_23 = arith.addi %add3A_22, %mul3A_2 : i32
    %add3A_24 = arith.constant 0 : i32
    %add3A_25 = arith.addi %add3A_23, %add3A_24 : i32
    %add3A_26 = arith.constant 1024 : i32
    %add3A_27 = arith.addi %add3A_26, %mul3A_2 : i32
    %add3A_28 = arith.constant 0 : i32
    %add3A_29 = arith.addi %add3A_27, %add3A_28 : i32
    %dma_start3A_30 = arith.constant 0 : i32
    %dma_start3A_31 = tpu.memref_slice %arg2[%add3A_25, %dma_start3A_30] : memref<32768x768xf32, #tpu.memory_space<hbm>> -> memref<32x768xf32, #tpu.memory_space<hbm>>
    %dma_start3A_32 = arith.constant 0 : i32
    %dma_start3A_33 = tpu.memref_slice %arg2[%add3A_25, %dma_start3A_32] : memref<32768x768xf32, #tpu.memory_space<hbm>> -> memref<32x768xf32, #tpu.memory_space<hbm>>
    tpu.enqueue_dma source(%dma_start3A_33 : memref<32x768xf32, #tpu.memory_space<hbm>>) target(%arg8 : memref<32x768xf32, #tpu.memory_space<vmem>>) target_semaphore(%arg11 : memref<!tpu.dma_semaphore, #tpu.memory_space<semaphore_mem>>)
    %dma_wait3A = arith.constant 0 : i32
    %dma_wait3A_34 = tpu.memref_slice %arg3[%add3A_6, %dma_wait3A] : memref<8192x768xf32, #tpu.memory_space<hbm>> -> memref<32x768xf32, #tpu.memory_space<hbm>>
    %dma_wait3A_35 = arith.constant 0 : i32
    %dma_wait3A_36 = tpu.memref_slice %arg3[%add3A_6, %dma_wait3A_35] : memref<8192x768xf32, #tpu.memory_space<hbm>> -> memref<32x768xf32, #tpu.memory_space<hbm>>
    tpu.wait_dma2 semaphore(%arg10 : memref<!tpu.dma_semaphore, #tpu.memory_space<semaphore_mem>>) src(%dma_wait3A_36 : memref<32x768xf32, #tpu.memory_space<hbm>>) dst(%arg5 : memref<32x768xf32, #tpu.memory_space<vmem>>)
    %dma_wait3A_37 = arith.constant 0 : i32
    %dma_wait3A_38 = tpu.memref_slice %arg2[%add3A_13, %dma_wait3A_37] : memref<32768x768xf32, #tpu.memory_space<hbm>> -> memref<32x768xf32, #tpu.memory_space<hbm>>
    %dma_wait3A_39 = arith.constant 0 : i32
    %dma_wait3A_40 = tpu.memref_slice %arg2[%add3A_13, %dma_wait3A_39] : memref<32768x768xf32, #tpu.memory_space<hbm>> -> memref<32x768xf32, #tpu.memory_space<hbm>>
    tpu.wait_dma2 semaphore(%arg11 : memref<!tpu.dma_semaphore, #tpu.memory_space<semaphore_mem>>) src(%dma_wait3A_40 : memref<32x768xf32, #tpu.memory_space<hbm>>) dst(%arg7 : memref<32x768xf32, #tpu.memory_space<vmem>>)
    %scan3A = arith.constant 0 : i32
    %scan3A_41 = arith.constant 0 : i32
    %scan3A_42 = arith.constant 32 : i32
    %scan3A_43 = arith.addi %scan3A_41, %scan3A_42 : i32
    %scan3A_44 = arith.constant 1 : i32
    scf.for %scan3A_164 = %scan3A_41 to %scan3A_43 step %scan3A_44  : i32 {
      %parallel_loop3A = arith.constant 0 : i32
      %parallel_loop3A_165 = arith.constant 768 : i32
      %parallel_loop3A_166 = arith.constant 16 : i32
      scf.for %parallel_loop3A_167 = %parallel_loop3A to %parallel_loop3A_165 step %parallel_loop3A_166  : i32 {
        %parallel_loop3A_168 = arith.index_cast %scan3A_164 : i32 to index
        %parallel_loop3A_169 = arith.index_cast %parallel_loop3A_167 : i32 to index
        %parallel_loop3A_170 = tpu.vector_load %arg5[%parallel_loop3A_168, %parallel_loop3A_169] {strides = array<i32>} : memref<32x768xf32, #tpu.memory_space<vmem>>, vector<1x16xf32>,
        %parallel_loop3A_171 = vector.shape_cast %parallel_loop3A_170 : vector<1x16xf32> to vector<16xf32>
        %parallel_loop3A_172 = arith.index_cast %scan3A_164 : i32 to index
        %parallel_loop3A_173 = arith.index_cast %parallel_loop3A_167 : i32 to index
        %parallel_loop3A_174 = tpu.vector_load %arg7[%parallel_loop3A_172, %parallel_loop3A_173] {strides = array<i32>} : memref<32x768xf32, #tpu.memory_space<vmem>>, vector<1x16xf32>,
        %parallel_loop3A_175 = vector.shape_cast %parallel_loop3A_174 : vector<1x16xf32> to vector<16xf32>
        %parallel_loop3A_176 = vector.shape_cast %parallel_loop3A_171 : vector<16xf32> to vector<1x16xf32>
        tpu.vector_store %arg7[%parallel_loop3A_172, %parallel_loop3A_173], %parallel_loop3A_176 {add = true, strides = array<i32>} : memref<32x768xf32, #tpu.memory_space<vmem>>, vector<1x16xf32>,
      } {sc.loop_unroll_factor = 8 : i64, sc.parallel_access}
    }
    %scan3A_45 = arith.constant 32 : i32
    %add3A_46 = arith.constant 7168 : i32
    %add3A_47 = arith.addi %add3A_46, %mul3A_2 : i32
    %add3A_48 = arith.constant 0 : i32
    %add3A_49 = arith.addi %add3A_47, %add3A_48 : i32
    %add3A_50 = arith.constant 0 : i32
    %add3A_51 = arith.addi %add3A_50, %mul3A_2 : i32
    %add3A_52 = arith.constant 0 : i32
    %add3A_53 = arith.addi %add3A_51, %add3A_52 : i32
    %dma_start3A_54 = arith.constant 0 : i32
    %dma_start3A_55 = tpu.memref_slice %arg4[%add3A_53, %dma_start3A_54] : memref<4096x768xf32, #tpu.memory_space<hbm>> -> memref<32x768xf32, #tpu.memory_space<hbm>>
    %dma_start3A_56 = arith.constant 0 : i32
    %dma_start3A_57 = tpu.memref_slice %arg4[%add3A_53, %dma_start3A_56] : memref<4096x768xf32, #tpu.memory_space<hbm>> -> memref<32x768xf32, #tpu.memory_space<hbm>>
    tpu.enqueue_dma source(%arg7 : memref<32x768xf32, #tpu.memory_space<vmem>>) target(%dma_start3A_57 : memref<32x768xf32, #tpu.memory_space<hbm>>) target_semaphore(%arg12 : memref<!tpu.dma_semaphore, #tpu.memory_space<semaphore_mem>>)
    %add3A_58 = arith.constant 23552 : i32
    %add3A_59 = arith.addi %add3A_58, %mul3A_2 : i32
    %add3A_60 = arith.constant 0 : i32
    %add3A_61 = arith.addi %add3A_59, %add3A_60 : i32
    %add3A_62 = arith.constant 2048 : i32
    %add3A_63 = arith.addi %add3A_62, %mul3A_2 : i32
    %add3A_64 = arith.constant 0 : i32
    %add3A_65 = arith.addi %add3A_63, %add3A_64 : i32
    %dma_start3A_66 = arith.constant 0 : i32
    %dma_start3A_67 = tpu.memref_slice %arg2[%add3A_61, %dma_start3A_66] : memref<32768x768xf32, #tpu.memory_space<hbm>> -> memref<32x768xf32, #tpu.memory_space<hbm>>
    %dma_start3A_68 = arith.constant 0 : i32
    %dma_start3A_69 = tpu.memref_slice %arg2[%add3A_61, %dma_start3A_68] : memref<32768x768xf32, #tpu.memory_space<hbm>> -> memref<32x768xf32, #tpu.memory_space<hbm>>
    tpu.enqueue_dma source(%dma_start3A_69 : memref<32x768xf32, #tpu.memory_space<hbm>>) target(%arg9 : memref<32x768xf32, #tpu.memory_space<vmem>>) target_semaphore(%arg11 : memref<!tpu.dma_semaphore, #tpu.memory_space<semaphore_mem>>)
    %dma_wait3A_70 = arith.constant 0 : i32
    %dma_wait3A_71 = tpu.memref_slice %arg2[%add3A_25, %dma_wait3A_70] : memref<32768x768xf32, #tpu.memory_space<hbm>> -> memref<32x768xf32, #tpu.memory_space<hbm>>
    %dma_wait3A_72 = arith.constant 0 : i32
    %dma_wait3A_73 = tpu.memref_slice %arg2[%add3A_25, %dma_wait3A_72] : memref<32768x768xf32, #tpu.memory_space<hbm>> -> memref<32x768xf32, #tpu.memory_space<hbm>>
    tpu.wait_dma2 semaphore(%arg11 : memref<!tpu.dma_semaphore, #tpu.memory_space<semaphore_mem>>) src(%dma_wait3A_73 : memref<32x768xf32, #tpu.memory_space<hbm>>) dst(%arg8 : memref<32x768xf32, #tpu.memory_space<vmem>>)
    %scan3A_74 = arith.constant 0 : i32
    %scan3A_75 = arith.constant 0 : i32
    %scan3A_76 = arith.constant 32 : i32
    %scan3A_77 = arith.addi %scan3A_75, %scan3A_76 : i32
    %scan3A_78 = arith.constant 1 : i32
    scf.for %scan3A_164 = %scan3A_75 to %scan3A_77 step %scan3A_78  : i32 {
      %parallel_loop3A = arith.constant 0 : i32
      %parallel_loop3A_165 = arith.constant 768 : i32
      %parallel_loop3A_166 = arith.constant 16 : i32
      scf.for %parallel_loop3A_167 = %parallel_loop3A to %parallel_loop3A_165 step %parallel_loop3A_166  : i32 {
        %parallel_loop3A_168 = arith.index_cast %scan3A_164 : i32 to index
        %parallel_loop3A_169 = arith.index_cast %parallel_loop3A_167 : i32 to index
        %parallel_loop3A_170 = tpu.vector_load %arg5[%parallel_loop3A_168, %parallel_loop3A_169] {strides = array<i32>} : memref<32x768xf32, #tpu.memory_space<vmem>>, vector<1x16xf32>,
        %parallel_loop3A_171 = vector.shape_cast %parallel_loop3A_170 : vector<1x16xf32> to vector<16xf32>
        %parallel_loop3A_172 = arith.index_cast %scan3A_164 : i32 to index
        %parallel_loop3A_173 = arith.index_cast %parallel_loop3A_167 : i32 to index
        %parallel_loop3A_174 = tpu.vector_load %arg8[%parallel_loop3A_172, %parallel_loop3A_173] {strides = array<i32>} : memref<32x768xf32, #tpu.memory_space<vmem>>, vector<1x16xf32>,
        %parallel_loop3A_175 = vector.shape_cast %parallel_loop3A_174 : vector<1x16xf32> to vector<16xf32>
        %parallel_loop3A_176 = vector.shape_cast %parallel_loop3A_171 : vector<16xf32> to vector<1x16xf32>
        tpu.vector_store %arg8[%parallel_loop3A_172, %parallel_loop3A_173], %parallel_loop3A_176 {add = true, strides = array<i32>} : memref<32x768xf32, #tpu.memory_space<vmem>>, vector<1x16xf32>,
      } {sc.loop_unroll_factor = 8 : i64, sc.parallel_access}
    }
    %scan3A_79 = arith.constant 32 : i32
    %add3A_80 = arith.constant 15360 : i32
    %add3A_81 = arith.addi %add3A_80, %mul3A_2 : i32
    %add3A_82 = arith.constant 0 : i32
    %add3A_83 = arith.addi %add3A_81, %add3A_82 : i32
    %add3A_84 = arith.constant 1024 : i32
    %add3A_85 = arith.addi %add3A_84, %mul3A_2 : i32
    %add3A_86 = arith.constant 0 : i32
    %add3A_87 = arith.addi %add3A_85, %add3A_86 : i32
    %dma_start3A_88 = arith.constant 0 : i32
    %dma_start3A_89 = tpu.memref_slice %arg4[%add3A_87, %dma_start3A_88] : memref<4096x768xf32, #tpu.memory_space<hbm>> -> memref<32x768xf32, #tpu.memory_space<hbm>>
    %dma_start3A_90 = arith.constant 0 : i32
    %dma_start3A_91 = tpu.memref_slice %arg4[%add3A_87, %dma_start3A_90] : memref<4096x768xf32, #tpu.memory_space<hbm>> -> memref<32x768xf32, #tpu.memory_space<hbm>>
    tpu.enqueue_dma source(%arg8 : memref<32x768xf32, #tpu.memory_space<vmem>>) target(%dma_start3A_91 : memref<32x768xf32, #tpu.memory_space<hbm>>) target_semaphore(%arg12 : memref<!tpu.dma_semaphore, #tpu.memory_space<semaphore_mem>>)
    %dma_wait3A_92 = arith.constant 0 : i32
    %dma_wait3A_93 = tpu.memref_slice %arg4[%add3A_53, %dma_wait3A_92] : memref<4096x768xf32, #tpu.memory_space<hbm>> -> memref<32x768xf32, #tpu.memory_space<hbm>>
    %dma_wait3A_94 = arith.constant 0 : i32
    %dma_wait3A_95 = tpu.memref_slice %arg4[%add3A_53, %dma_wait3A_94] : memref<4096x768xf32, #tpu.memory_space<hbm>> -> memref<32x768xf32, #tpu.memory_space<hbm>>
    tpu.wait_dma2 semaphore(%arg12 : memref<!tpu.dma_semaphore, #tpu.memory_space<semaphore_mem>>) src(%arg7 : memref<32x768xf32, #tpu.memory_space<vmem>>) dst(%dma_wait3A_95 : memref<32x768xf32, #tpu.memory_space<hbm>>)
    %add3A_96 = arith.constant 31744 : i32
    %add3A_97 = arith.addi %add3A_96, %mul3A_2 : i32
    %add3A_98 = arith.constant 0 : i32
    %add3A_99 = arith.addi %add3A_97, %add3A_98 : i32
    %add3A_100 = arith.constant 3072 : i32
    %add3A_101 = arith.addi %add3A_100, %mul3A_2 : i32
    %add3A_102 = arith.constant 0 : i32
    %add3A_103 = arith.addi %add3A_101, %add3A_102 : i32
    %dma_start3A_104 = arith.constant 0 : i32
    %dma_start3A_105 = tpu.memref_slice %arg2[%add3A_99, %dma_start3A_104] : memref<32768x768xf32, #tpu.memory_space<hbm>> -> memref<32x768xf32, #tpu.memory_space<hbm>>
    %dma_start3A_106 = arith.constant 0 : i32
    %dma_start3A_107 = tpu.memref_slice %arg2[%add3A_99, %dma_start3A_106] : memref<32768x768xf32, #tpu.memory_space<hbm>> -> memref<32x768xf32, #tpu.memory_space<hbm>>
    tpu.enqueue_dma source(%dma_start3A_107 : memref<32x768xf32, #tpu.memory_space<hbm>>) target(%arg7 : memref<32x768xf32, #tpu.memory_space<vmem>>) target_semaphore(%arg11 : memref<!tpu.dma_semaphore, #tpu.memory_space<semaphore_mem>>)
    %dma_wait3A_108 = arith.constant 0 : i32
    %dma_wait3A_109 = tpu.memref_slice %arg2[%add3A_61, %dma_wait3A_108] : memref<32768x768xf32, #tpu.memory_space<hbm>> -> memref<32x768xf32, #tpu.memory_space<hbm>>
    %dma_wait3A_110 = arith.constant 0 : i32
    %dma_wait3A_111 = tpu.memref_slice %arg2[%add3A_61, %dma_wait3A_110] : memref<32768x768xf32, #tpu.memory_space<hbm>> -> memref<32x768xf32, #tpu.memory_space<hbm>>
    tpu.wait_dma2 semaphore(%arg11 : memref<!tpu.dma_semaphore, #tpu.memory_space<semaphore_mem>>) src(%dma_wait3A_111 : memref<32x768xf32, #tpu.memory_space<hbm>>) dst(%arg9 : memref<32x768xf32, #tpu.memory_space<vmem>>)
    %scan3A_112 = arith.constant 0 : i32
    %scan3A_113 = arith.constant 0 : i32
    %scan3A_114 = arith.constant 32 : i32
    %scan3A_115 = arith.addi %scan3A_113, %scan3A_114 : i32
    %scan3A_116 = arith.constant 1 : i32
    scf.for %scan3A_164 = %scan3A_113 to %scan3A_115 step %scan3A_116  : i32 {
      %parallel_loop3A = arith.constant 0 : i32
      %parallel_loop3A_165 = arith.constant 768 : i32
      %parallel_loop3A_166 = arith.constant 16 : i32
      scf.for %parallel_loop3A_167 = %parallel_loop3A to %parallel_loop3A_165 step %parallel_loop3A_166  : i32 {
        %parallel_loop3A_168 = arith.index_cast %scan3A_164 : i32 to index
        %parallel_loop3A_169 = arith.index_cast %parallel_loop3A_167 : i32 to index
        %parallel_loop3A_170 = tpu.vector_load %arg5[%parallel_loop3A_168, %parallel_loop3A_169] {strides = array<i32>} : memref<32x768xf32, #tpu.memory_space<vmem>>, vector<1x16xf32>,
        %parallel_loop3A_171 = vector.shape_cast %parallel_loop3A_170 : vector<1x16xf32> to vector<16xf32>
        %parallel_loop3A_172 = arith.index_cast %scan3A_164 : i32 to index
        %parallel_loop3A_173 = arith.index_cast %parallel_loop3A_167 : i32 to index
        %parallel_loop3A_174 = tpu.vector_load %arg9[%parallel_loop3A_172, %parallel_loop3A_173] {strides = array<i32>} : memref<32x768xf32, #tpu.memory_space<vmem>>, vector<1x16xf32>,
        %parallel_loop3A_175 = vector.shape_cast %parallel_loop3A_174 : vector<1x16xf32> to vector<16xf32>
        %parallel_loop3A_176 = vector.shape_cast %parallel_loop3A_171 : vector<16xf32> to vector<1x16xf32>
        tpu.vector_store %arg9[%parallel_loop3A_172, %parallel_loop3A_173], %parallel_loop3A_176 {add = true, strides = array<i32>} : memref<32x768xf32, #tpu.memory_space<vmem>>, vector<1x16xf32>,
      } {sc.loop_unroll_factor = 8 : i64, sc.parallel_access}
    }
    %scan3A_117 = arith.constant 32 : i32
    %add3A_118 = arith.constant 23552 : i32
    %add3A_119 = arith.addi %add3A_118, %mul3A_2 : i32
    %add3A_120 = arith.constant 0 : i32
    %add3A_121 = arith.addi %add3A_119, %add3A_120 : i32
    %add3A_122 = arith.constant 2048 : i32
    %add3A_123 = arith.addi %add3A_122, %mul3A_2 : i32
    %add3A_124 = arith.constant 0 : i32
    %add3A_125 = arith.addi %add3A_123, %add3A_124 : i32
    %dma_start3A_126 = arith.constant 0 : i32
    %dma_start3A_127 = tpu.memref_slice %arg4[%add3A_125, %dma_start3A_126] : memref<4096x768xf32, #tpu.memory_space<hbm>> -> memref<32x768xf32, #tpu.memory_space<hbm>>
    %dma_start3A_128 = arith.constant 0 : i32
    %dma_start3A_129 = tpu.memref_slice %arg4[%add3A_125, %dma_start3A_128] : memref<4096x768xf32, #tpu.memory_space<hbm>> -> memref<32x768xf32, #tpu.memory_space<hbm>>
    tpu.enqueue_dma source(%arg9 : memref<32x768xf32, #tpu.memory_space<vmem>>) target(%dma_start3A_129 : memref<32x768xf32, #tpu.memory_space<hbm>>) target_semaphore(%arg12 : memref<!tpu.dma_semaphore, #tpu.memory_space<semaphore_mem>>)
    %dma_wait3A_130 = arith.constant 0 : i32
    %dma_wait3A_131 = tpu.memref_slice %arg2[%add3A_99, %dma_wait3A_130] : memref<32768x768xf32, #tpu.memory_space<hbm>> -> memref<32x768xf32, #tpu.memory_space<hbm>>
    %dma_wait3A_132 = arith.constant 0 : i32
    %dma_wait3A_133 = tpu.memref_slice %arg2[%add3A_99, %dma_wait3A_132] : memref<32768x768xf32, #tpu.memory_space<hbm>> -> memref<32x768xf32, #tpu.memory_space<hbm>>
    tpu.wait_dma2 semaphore(%arg11 : memref<!tpu.dma_semaphore, #tpu.memory_space<semaphore_mem>>) src(%dma_wait3A_133 : memref<32x768xf32, #tpu.memory_space<hbm>>) dst(%arg7 : memref<32x768xf32, #tpu.memory_space<vmem>>)
    %scan3A_134 = arith.constant 0 : i32
    %scan3A_135 = arith.constant 0 : i32
    %scan3A_136 = arith.constant 32 : i32
    %scan3A_137 = arith.addi %scan3A_135, %scan3A_136 : i32
    %scan3A_138 = arith.constant 1 : i32
    scf.for %scan3A_164 = %scan3A_135 to %scan3A_137 step %scan3A_138  : i32 {
      %parallel_loop3A = arith.constant 0 : i32
      %parallel_loop3A_165 = arith.constant 768 : i32
      %parallel_loop3A_166 = arith.constant 16 : i32
      scf.for %parallel_loop3A_167 = %parallel_loop3A to %parallel_loop3A_165 step %parallel_loop3A_166  : i32 {
        %parallel_loop3A_168 = arith.index_cast %scan3A_164 : i32 to index
        %parallel_loop3A_169 = arith.index_cast %parallel_loop3A_167 : i32 to index
        %parallel_loop3A_170 = tpu.vector_load %arg5[%parallel_loop3A_168, %parallel_loop3A_169] {strides = array<i32>} : memref<32x768xf32, #tpu.memory_space<vmem>>, vector<1x16xf32>,
        %parallel_loop3A_171 = vector.shape_cast %parallel_loop3A_170 : vector<1x16xf32> to vector<16xf32>
        %parallel_loop3A_172 = arith.index_cast %scan3A_164 : i32 to index
        %parallel_loop3A_173 = arith.index_cast %parallel_loop3A_167 : i32 to index
        %parallel_loop3A_174 = tpu.vector_load %arg7[%parallel_loop3A_172, %parallel_loop3A_173] {strides = array<i32>} : memref<32x768xf32, #tpu.memory_space<vmem>>, vector<1x16xf32>,
        %parallel_loop3A_175 = vector.shape_cast %parallel_loop3A_174 : vector<1x16xf32> to vector<16xf32>
        %parallel_loop3A_176 = vector.shape_cast %parallel_loop3A_171 : vector<16xf32> to vector<1x16xf32>
        tpu.vector_store %arg7[%parallel_loop3A_172, %parallel_loop3A_173], %parallel_loop3A_176 {add = true, strides = array<i32>} : memref<32x768xf32, #tpu.memory_space<vmem>>, vector<1x16xf32>,
      } {sc.loop_unroll_factor = 8 : i64, sc.parallel_access}
    }
    %scan3A_139 = arith.constant 32 : i32
    %add3A_140 = arith.constant 31744 : i32
    %add3A_141 = arith.addi %add3A_140, %mul3A_2 : i32
    %add3A_142 = arith.constant 0 : i32
    %add3A_143 = arith.addi %add3A_141, %add3A_142 : i32
    %add3A_144 = arith.constant 3072 : i32
    %add3A_145 = arith.addi %add3A_144, %mul3A_2 : i32
    %add3A_146 = arith.constant 0 : i32
    %add3A_147 = arith.addi %add3A_145, %add3A_146 : i32
    %dma_start3A_148 = arith.constant 0 : i32
    %dma_start3A_149 = tpu.memref_slice %arg4[%add3A_147, %dma_start3A_148] : memref<4096x768xf32, #tpu.memory_space<hbm>> -> memref<32x768xf32, #tpu.memory_space<hbm>>
    %dma_start3A_150 = arith.constant 0 : i32
    %dma_start3A_151 = tpu.memref_slice %arg4[%add3A_147, %dma_start3A_150] : memref<4096x768xf32, #tpu.memory_space<hbm>> -> memref<32x768xf32, #tpu.memory_space<hbm>>
    tpu.enqueue_dma source(%arg7 : memref<32x768xf32, #tpu.memory_space<vmem>>) target(%dma_start3A_151 : memref<32x768xf32, #tpu.memory_space<hbm>>) target_semaphore(%arg12 : memref<!tpu.dma_semaphore, #tpu.memory_space<semaphore_mem>>)
    %dma_wait3A_152 = arith.constant 0 : i32
    %dma_wait3A_153 = tpu.memref_slice %arg4[%add3A_87, %dma_wait3A_152] : memref<4096x768xf32, #tpu.memory_space<hbm>> -> memref<32x768xf32, #tpu.memory_space<hbm>>
    %dma_wait3A_154 = arith.constant 0 : i32
    %dma_wait3A_155 = tpu.memref_slice %arg4[%add3A_87, %dma_wait3A_154] : memref<4096x768xf32, #tpu.memory_space<hbm>> -> memref<32x768xf32, #tpu.memory_space<hbm>>
    tpu.wait_dma2 semaphore(%arg12 : memref<!tpu.dma_semaphore, #tpu.memory_space<semaphore_mem>>) src(%arg8 : memref<32x768xf32, #tpu.memory_space<vmem>>) dst(%dma_wait3A_155 : memref<32x768xf32, #tpu.memory_space<hbm>>)
    %dma_wait3A_156 = arith.constant 0 : i32
    %dma_wait3A_157 = tpu.memref_slice %arg4[%add3A_125, %dma_wait3A_156] : memref<4096x768xf32, #tpu.memory_space<hbm>> -> memref<32x768xf32, #tpu.memory_space<hbm>>
    %dma_wait3A_158 = arith.constant 0 : i32
    %dma_wait3A_159 = tpu.memref_slice %arg4[%add3A_125, %dma_wait3A_158] : memref<4096x768xf32, #tpu.memory_space<hbm>> -> memref<32x768xf32, #tpu.memory_space<hbm>>
    tpu.wait_dma2 semaphore(%arg12 : memref<!tpu.dma_semaphore, #tpu.memory_space<semaphore_mem>>) src(%arg9 : memref<32x768xf32, #tpu.memory_space<vmem>>) dst(%dma_wait3A_159 : memref<32x768xf32, #tpu.memory_space<hbm>>)
    %dma_wait3A_160 = arith.constant 0 : i32
    %dma_wait3A_161 = tpu.memref_slice %arg4[%add3A_147, %dma_wait3A_160] : memref<4096x768xf32, #tpu.memory_space<hbm>> -> memref<32x768xf32, #tpu.memory_space<hbm>>
    %dma_wait3A_162 = arith.constant 0 : i32
    %dma_wait3A_163 = tpu.memref_slice %arg4[%add3A_147, %dma_wait3A_162] : memref<4096x768xf32, #tpu.memory_space<hbm>> -> memref<32x768xf32, #tpu.memory_space<hbm>>
    tpu.wait_dma2 semaphore(%arg12 : memref<!tpu.dma_semaphore, #tpu.memory_space<semaphore_mem>>) src(%arg7 : memref<32x768xf32, #tpu.memory_space<vmem>>) dst(%dma_wait3A_163 : memref<32x768xf32, #tpu.memory_space<hbm>>)
    return
  }
}

module attributes {stable_mosaic.version = 14 : i64} {
  func.func @_tc_body(%arg0: i32, %arg1: i32, %arg2: memref<1x1792x768xf32, #tpu.memory_space<vmem>>, %arg3: memref<1792x768xf32, #tpu.memory_space<vmem>>, %arg4: memref<1x1792x768xf32, #tpu.memory_space<vmem>>) attributes {dimension_semantics = [#tpu.dimension_semantics<arbitrary>, #tpu.dimension_semantics<arbitrary>], iteration_bounds = array<i64: 4, 4>, scalar_prefetch = 0 : i64, scratch_operands = 0 : i64, tpu.core_type = #tpu.core_type<tc>, window_params = [{transform_indices = @transform_0, window_bounds = array<i64: 1, 1792, 768>}, {transform_indices = @transform_1, window_bounds = array<i64: 1792, 768>}, {transform_indices = @transform_2, window_bounds = array<i64: 1, 1792, 768>}]} {
    %get3A = arith.constant 0 : index
    %get3A_0 = arith.constant 0 : index
    %get3A_1 = arith.constant 0 : index
    %get3A_2 = vector.load %arg2[%get3A, %get3A_0, %get3A_1] : memref<1x1792x768xf32, #tpu.memory_space<vmem>>, vector<1x1792x768xf32>
    %get3A_3 = arith.constant 0 : index
    %get3A_4 = arith.constant 0 : index
    %get3A_5 = vector.load %arg3[%get3A_3, %get3A_4] : memref<1792x768xf32, #tpu.memory_space<vmem>>, vector<1792x768xf32>
    %broadcast_in_dim3A = vector.shape_cast %get3A_5 : vector<1792x768xf32> to vector<1x1792x768xf32>
    %add3A = arith.addf %get3A_2, %broadcast_in_dim3A : vector<1x1792x768xf32>
    %swap3A = arith.constant 0 : index
    %swap3A_6 = arith.constant 0 : index
    %swap3A_7 = arith.constant 0 : index
    %swap3A_8 = vector.load %arg4[%swap3A, %swap3A_6, %swap3A_7] : memref<1x1792x768xf32, #tpu.memory_space<vmem>>, vector<1x1792x768xf32>
    tpu.vector_store %arg4[%swap3A, %swap3A_6, %swap3A_7], %add3A {strides = array<i32>} : memref<1x1792x768xf32, #tpu.memory_space<vmem>>, vector<1x1792x768xf32>,
    return
  }
  func.func @transform_0(%arg0: i32, %arg1: i32) -> (i32, i32, i32) {
    %c0_i32 = arith.constant 0 : i32
    %c0_i32_0 = arith.constant 0 : i32
    return %arg1, %arg0, %c0_i32 : i32, i32, i32
  }
  func.func @transform_1(%arg0: i32, %arg1: i32) -> (i32, i32) {
    %c0_i32 = arith.constant 0 : i32
    %c0_i32_0 = arith.constant 0 : i32
    return %arg0, %c0_i32 : i32, i32
  }
  func.func @transform_2(%arg0: i32, %arg1: i32) -> (i32, i32, i32) {
    %c0_i32 = arith.constant 0 : i32
    %c0_i32_0 = arith.constant 0 : i32
    return %arg1, %arg0, %c0_i32 : i32, i32, i32
  }
}

</mosaic_0001>

<sc_bundles>
// kernel: kernel.4.cloned.1.call-start
scs
__scs_entry_jumppad:
0x0: {  	(pc) =	sbr.rel $0x88, $3  }
0x1: {  	(tag) =	ssettag $0x0;
	lr =	simm.s32 $0x1  }
0x2: {  	[smem:$0x3F9F] =	sst lr;
	_ =	strace $0xD0000000  }
0x3: {  	_ = 	snop  }
0x4: {  	_ = 	snop  }
0x5: {  	_ = 	snop  }
0x6: {  	_ = 	snop  }
0x7: {  	_ = 	snop  }
__scs_overlays_trampoline_lowered:
0x8: {  	[smem:$0x3FAE] =	sst s0  }
0x9: {  	[smem:$0x3FAF] =	sst s1  }
0xa: {  	[smem:$0x3FB0] =	sst s2  }
0xb: {  	[smem:$0x3FB1] =	sst s3  }
0xc: {  	[smem:$0x3FB2] =	sst s4  }
0xd: {  	[smem:$0x3FB3] =	sst s5  }
0xe: {  	[smem:$0x3FB4] =	sst s6  }
0xf: {  	[smem:$0x3FB5] =	sst s7  }
0x10: {  	[smem:$0x3FB6] =	sst s8  }
0x11: {  	[smem:$0x3FB7] =	sst s9;
	s0 =	simm.s32 @!p0 $0x0  }
0x12: {  	s1 =	sld [smem:$0x3F9D];
	s0 =	simm.s32 @p0 $0x1  }
0x13: {  	[smem:$0x3FB8] =	sst s0;
	s0 =	simm.s32 @!p1 $0x0  }
0x14: {  	s2 =	sld [smem:$0x3F9C];
	s0 =	simm.s32 @p1 $0x1  }
0x15: {  	[smem:$0x3FB9] =	sst s0;
	s0 =	simm.s32 @!p2 $0x0  }
0x16: {  	s3 =	sld [smem:$0x3FDB];
	s0 =	simm.s32 @p2 $0x1  }
0x17: {  	s4 =	simm.s32 $0x1BF5;
	[smem:$0x3FBB] =	sst s0  }
0x18: {  	s0 =	sld [smem:$0x3F9E];
	_ =	swait.ge [sflag:s4], $0x0  }
0x19: {  	s7 =	sld [smem:$0x3F9F]  }
0x1a: {  	s8 =	sadd.s32 $0xFFFFE003, lr  }
0x1b: {  	s9 =	sadd.s32 $0xFFFFFEF7, lr;
	s5 =	simm.s32 $0xFFFFFFFF;
	p2 =	slt.u32 s8, $0xFFFFF086  }
0x1c: {  	p1 =	slt.u32 s9, $0xF7A;
	s5 =	simm.s32 @!p2 $0x0  }
0x1d: {  	s5 =	simm.s32 @p1 $0x1;
	p0 =	seq.s32 s7, s2  }
0x1e: {  	s7 =	smul.u32 @!p0 $0xF7A, s2;
	p2 =	seq.s32 @!p0 s5, $0x0  }
0x1f: {  	s9 =	smul.u32 $0xF7A, s1;
	s8 =	simm.s32 @!p0 $0x1BF5;
	p2 =	por !p2, p0  }
0x20: {  	[sflag:s8] =	ssyncset.s32 @!p0 $0xFFFFF086;
	s6 =	sadd.s32 @!p0 s3, s7;
	s7 =	simm.s32 @!p0 $0x108  }
0x21: {  	s3 =	sadd.s32 s3, s9;
	s6 =	sadd.s32 @!p0 $0x88, s6;
	s7 =	simm.s32 @p2 $0x1082  }
0x22: {  	[simem:s7], [sflag:s8] =	dma.local @!p0 [hbm:s6], $0xF7A  }
0x23: {  	s9 =	sor.u32 $0xD0000000, s2;
	s6 =	simm.s32 $0x108;
	_ =	swait.ge @!p0 [sflag:s8], $0x0  }
0x24: {  	s3 =	sadd.s32 $0x88, s3;
	s6 =	simm.s32 @!p1 $0x1082;
	[sflag:s4] =	ssyncset.s32 $0xFFFFF086  }
0x25: {  	[simem:s6], [sflag:s4] =	dma.local [hbm:s3], $0xF7A  }
0x26: {  	[smem:$0x3F9F] =	sst s1;
	(tag) =	ssettag s2;
	_ =	strace s9  }
0x27: {  	s1 =	sld [smem:$0x3FAF]  }
0x28: {  	s2 =	sld [smem:$0x3FB0]  }
0x29: {  	s4 =	sld [smem:$0x3FB2]  }
0x2a: {  	p0 =	seq.s32 s5, $0x0;
	s5 =	sld [smem:$0x3FB3]  }
0x2b: {  	s6 =	sld [smem:$0x3FB4]  }
0x2c: {  	s7 =	sld [smem:$0x3FB5]  }
0x2d: {  	s3 =	simm.s32 $0x108;
	s8 =	sld [smem:$0x3FB6]  }
0x2e: {  	s3 =	simm.s32 @!p0 $0x1082;
	s9 =	sld [smem:$0x3FB7]  }
0x2f: {  	lr =	sadd.s32 s0, s3;
	s0 =	sld [smem:$0x3FAE]  }
0x30: {  	s3 =	sld [smem:$0x3FB1]  }
0x31: {  	[smem:$0x3FBA] =	sst s10  }
0x32: {  	s10 =	sld [smem:$0x3FB8];
	_ =	sdelay $0x3  }
0x33: {  	p0 =	seq.s32 s10, $0x1;
	s10 =	sld [smem:$0x3FBA];
	_ =	sdelay $0x3  }
0x34: {  	[smem:$0x3FBA] =	sst s10  }
0x35: {  	s10 =	sld [smem:$0x3FB9];
	_ =	sdelay $0x3  }
0x36: {  	p1 =	seq.s32 s10, $0x1;
	s10 =	sld [smem:$0x3FBA];
	_ =	sdelay $0x3  }
0x37: {  	[smem:$0x3FBA] =	sst s10  }
0x38: {  	s10 =	sld [smem:$0x3FBB]  }
0x39: {  	_ = 	snop;
	(pc) =	sbr.ind lr, $3  }
0x3a: {  	_ = 	snop  }
0x3b: {  	_ = 	snop  }
0x3c: {  	p2 =	seq.s32 s10, $0x1;
	s10 =	sld [smem:$0x3FBA]  }
0x3d: {  	_ =	shalt  }
0x3e: {  	_ =	shalt  }
0x3f: {  	_ =	shalt  }
0x40: {  	_ =	shalt  }
0x41: {  	_ =	shalt  }
0x42: {  	_ =	shalt  }
0x43: {  	_ =	shalt  }
0x44: {  	_ =	shalt  }
0x45: {  	_ =	shalt  }
0x46: {  	_ =	shalt  }
0x47: {  	_ =	shalt  }
0x48: {  	_ =	shalt  }
0x49: {  	_ =	shalt  }
0x4a: {  	_ =	shalt  }
0x4b: {  	_ =	shalt  }
0x4c: {  	_ =	shalt  }
0x4d: {  	_ =	shalt  }
0x4e: {  	_ =	shalt  }
0x4f: {  	_ =	shalt  }
0x50: {  	_ =	shalt  }
0x51: {  	_ =	shalt  }
0x52: {  	_ =	shalt  }
0x53: {  	_ =	shalt  }
0x54: {  	_ =	shalt  }
0x55: {  	_ =	shalt  }
0x56: {  	_ =	shalt  }
0x57: {  	_ =	shalt  }
0x58: {  	_ =	shalt  }
0x59: {  	_ =	shalt  }
0x5a: {  	_ =	shalt  }
0x5b: {  	_ =	shalt  }
0x5c: {  	_ =	shalt  }
0x5d: {  	_ =	shalt  }
0x5e: {  	_ =	shalt  }
0x5f: {  	_ =	shalt  }
0x60: {  	_ =	shalt  }
0x61: {  	_ =	shalt  }
0x62: {  	_ =	shalt  }
0x63: {  	_ =	shalt  }
0x64: {  	_ =	shalt  }
0x65: {  	_ =	shalt  }
0x66: {  	_ =	shalt  }
0x67: {  	_ =	shalt  }
0x68: {  	_ =	shalt  }
0x69: {  	_ =	shalt  }
0x6a: {  	_ =	shalt  }
0x6b: {  	_ =	shalt  }
0x6c: {  	_ =	shalt  }
0x6d: {  	_ =	shalt  }
0x6e: {  	_ =	shalt  }
0x6f: {  	_ =	shalt  }
0x70: {  	_ =	shalt  }
0x71: {  	_ =	shalt  }
0x72: {  	_ =	shalt  }
0x73: {  	_ =	shalt  }
0x74: {  	_ =	shalt  }
0x75: {  	_ =	shalt  }
0x76: {  	_ =	shalt  }
0x77: {  	_ =	shalt  }
0x78: {  	_ =	shalt  }
0x79: {  	_ =	shalt  }
0x7a: {  	_ =	shalt  }
0x7b: {  	_ =	shalt  }
0x7c: {  	_ =	shalt  }
0x7d: {  	_ =	shalt  }
0x7e: {  	_ =	shalt  }
0x7f: {  	_ =	shalt  }
0x80: {  	_ =	shalt  }
0x81: {  	_ =	shalt  }
0x82: {  	_ =	shalt  }
0x83: {  	_ =	shalt  }
0x84: {  	_ =	shalt  }
0x85: {  	_ =	shalt  }
0x86: {  	_ =	shalt  }
0x87: {  	_ =	shalt  }
.Lfunc_end0:
.L_simem_size_0:
called_computation_lowered:
.L_overlay_start_0:
0x88: {  	s2 =	sld [smem:$0x3FD9]  }
0x89: {  	s3 =	sld [smem:$0x3FFE];
	_ =	sdelay $0x1  }
0x8a: {  	s1 =	srdreg.scid  }
0x8b: {  	s0 =	sand.u32 $0x1, s1  }
0x8c: {  	s17 =	sshll.u32 s0, $0xA;
	s2 =	sadd.s32 s3, s2  }
0x8d: {  	s2 =	sadd.s32 s2, s17  }
0x8e: {  	[smem:$0x3FC6] =	sst s2  }
0x8f: {  	_ = 	snop  }
0x90: {  	s2 =	sld [smem:$0x3FC9]  }
0x91: {  	s18 =	sld [smem:$0x3FC8];
	(tm) =	ssettm $0x1  }
0x92: {  	s4 =	sld [smem:$0x3FFB];
	_ =	sdelay $0x3  }
0x93: {  	_ =	strace s4  }
0x94: {  	s4 =	sld [smem:$0x3FFC];
	_ =	sdelay $0x3  }
0x95: {  	_ =	strace s4  }
0x96: {  	s4 =	sld [smem:$0x3FFD];
	_ =	sdelay $0x3  }
0x97: {  	_ =	strace s4  }
0x98: {  	_ =	strace $0x8FFFFFFF  }
0x99: {  	s19 =	sld [smem:$0x3FDB];
	_ =	sdelay $0x1  }
0x9a: {  	s5 =	simm.s32 $_scs_section_size  }
0x9b: {  	s6 =	simm.s32 $_size__tile_overlayer_lowered;
	s7 =	simm.s32 $_tile_overlayer_lowered  }
0x9c: {  	s22 =	simm.s32 $0x1BFF;
	s21 =	sshll.u32 s7, $0x1;
	s4 =	sadd.s32 s5, s19  }
0x9d: {  	s8 =	simm.s32 $0x0;
	s20 =	sshll.u32 s6, $0x1;
	s6 =	sadd.s32 s21, s4  }
0x9e: {  	[timem:s8], [sflag:s22] =	dma.local [hbm:s6], s20  }
0x9f: {  	_ =	swait.ge [sflag:s22], s20  }
0xa0: {  	s5 =	ssub.s32 $0x0, s20;
	[sflag:s22] =	ssyncset.done $0x0  }
0xa1: {  	[sflag:s22] =	ssyncadd.s32 s5;
	_ =	sdelay $0x1  }
0xa2: {  	s23 =	simm.s32 $0x1B8B  }
0xa3: {  	_ =	swait.ge [sflag:s23], $0x1  }
0xa4: {  	[sflag:s23] =	ssyncset.done $0x0  }
0xa5: {  	s25 =	simm.s32 $0x1B8E;
	s24 =	sld [smem:$0x3FFE];
	[sflag:s23] =	ssyncadd.s32 $0xFFFFFFFF  }
0xa6: {  	s26 =	simm.s32 $execute0_lowered;
	[smem:$0x3FD2] =	sst s25  }
0xa7: {  	s6 =	sshll.u32 s26, $0x1;
	_ =	strace $0x80000046;
	[dreg:$0x1] =	wrdreg $0xFFFFFFFF  }
0xa8: {  	s28 =	simm.s32 $_size_execute0_lowered;
	s4 =	sadd.s32 s4, s6;
	[dreg:$0x0] =	wrdreg $0x0  }
0xa9: {  	s6 =	sshll.u32 s28, $0x1;
	[dreg:$0x2] =	wrdreg s4  }
0xaa: {  	[dreg:$0x3] =	wrdreg s6  }
0xab: {  	[dreg:$0x4] =	wrdreg $0xC0  }
0xac: {  	_ =	task [dreg:s8], $0x5FFFF  }
0xad: {  	[dreg:$0x1] =	wrdreg $0xFFFFFFFF  }
0xae: {  	[dreg:$0x0] =	wrdreg $0x60  }
0xaf: {  	[dreg:$0x2] =	wrdreg s2  }
0xb0: {  	[dreg:$0x3] =	wrdreg s18  }
0xb1: {  	[dreg:$0x4] =	wrdreg s24  }
0xb2: {  	[dreg:$0x5] =	wrdreg $0x9  }
0xb3: {  	_ =	task.clear_ibuf [dreg:s8], $0x6FFFF;
	_ =	strace $0x90000046  }
0xb4: {  	s29 =	simm.s32 $0x9;
	_ =	strace $0x80000048  }
0xb5: {  	_ =	swait.ge [sflag:s29], $0x1  }
0xb6: {  	[sflag:s29] =	ssyncadd.s32 $0xFFFFFFFF  }
0xb7: {  	_ =	strace $0x90000048  }
0xb8: {  	_ =	sfence  }
0xb9: {  	s30 =	sld [smem:$0x0];
	_ =	sdelay $0x2  }
0xba: {  	s31 =	sshll.u32 s1, $0xD;
	s1 =	sshrl.u32 s1, $0x2  }
0xbb: {  	s3 =	sand.u32 $0x4000, s31;
	s1 =	sadd.s32 s1, s30  }
0xbc: {  	s0 =	sor.u32 s3, s0;
	s1 =	sshll.u32 s1, $0x11  }
0xbd: {  	s0 =	sor.u32 s1, s0  }
0xbe: {  	s0 =	sadd.s32 $0x8F2B, s0  }
0xbf: {  	[sflag:s0] =	ssyncadd.remote.s32 $0x1  }
0xc0: {  	_ =	sfence.sel $0xFFFF  }
0xc1: {  	[dreg:$0x0] =	wrdreg $0xFFFFFFFF;
	(pc) =	sbr.abs _section_cstart, $3  }
0xc2: {  	[dreg:$0x1] =	wrdreg $0xFFFFFFFF  }
0xc3: {  	_ =	task.clear_ibuf [dreg:s8], $0x2FFFF;
	_ =	strace $0x9FFFFFFF  }
0xc4: {  	(tm) =	ssettm $0x7FFFFFFF  }
0xc5: {  	_ =	shalt  }
tec
execute0_lowered:
.L_overlay_start_1:
0x0: {  	(tag) =	ssettag $0x1  }
0x1: {  	s5 =	rddreg [dreg:$0x0];
	s1 =	srdreg.scid  }
0x2: {  	s3 =	rddreg [dreg:$0x1];
	s0 =	stileid.u32  }
0x3: {  	s6 =	rddreg [dreg:$0x2];
	s2 =	simm.s32 $0x0;
	s13 =	simm.s32 $0x6000  }
0x4: {  	s14 =	simm.s32 $0xC000;
	s15 =	simm.s32 $0x1;
	s16 =	simm.s32 $0x2  }
0x5: {  	s17 =	simm.s32 $0x12000;
	s18 =	simm.s32 $0x3;
	s4 =	sand.u32 $0x1, s1  }
0x6: {  	s7 =	sshll.u32 s0, $0x3;
	s8 =	sshll.u32 s4, $0x2;
	s4 =	ssub.s32 $0x2, s4  }
0x7: {  	s19 =	simm.s32 $0x0;
	s7 =	sor.u32 s8, s7;
	s30 =	sshrl.u32 s4, $0x1  }
0x8: {  	[smem:$0x7FF] =	sst s2;
	s7 =	smul.u32 $0x300, s7;
	s12 =	ssub.s32 s4, s30  }
0x9: {  	s1 =	rddreg [dreg:$0x3];
	_ =	strace $0x80000047;
	s12 =	smax.u32 s12, $0x1  }
0xa: {  	s11 =	sadd.s32 s7, s6;
	s31 =	sadd.s32 $0xA8000, s7;
	s9 =	sadd.s32 s7, s5  }
0xb: {  	s3 =	sadd.s32 s3, s31;
	s4 =	sadd.s32 s5, s31;
	s5 =	sadd.s32 $0x168000, s9  }
0xc: {  	s6 =	sadd.s32 $0x400, s11;
	s7 =	sadd.s32 $0x228000, s9;
	s8 =	sadd.s32 $0x18400, s11  }
0xd: {  	s9 =	sadd.s32 $0x2E8000, s9;
	s10 =	sadd.s32 $0x30400, s11;
	s11 =	sadd.s32 $0x48400, s11  }
.LBB2_1:
0xe: {  	[tilespmem:s2], [sflag:$0x1] =	stream.linear.gather [hbm4b:s3+s2], $0x6000, $0x38;
	[tilespmem:$0x18000] =	vst v63  }
0xf: {  	_ = 	snop  }
0x10: {  	[tilespmem:s13], [sflag:$0x2] =	stream.linear.gather [hbm4b:s4+s2], $0x6000, $0x38;
	[tilespmem:$0x18000] =	vst v63  }
0x11: {  	_ = 	snop  }
0x12: {  	[tilespmem:s14], [sflag:$0x2] =	stream.linear.gather [hbm4b:s5+s2], $0x6000, $0x38;
	[tilespmem:$0x18000] =	vst v63  }
0x13: {  	_ =	swait.ge [sflag:s15], $0x6000  }
0x14: {  	[sflag:s15] =	ssyncset.done $0x0  }
0x15: {  	[sflag:s15] =	ssyncadd.s32 $0xFFFFA000  }
0x16: {  	_ =	swait.ge [sflag:s16], $0x6000  }
0x17: {  	[sflag:s16] =	ssyncset.done $0x0  }
0x18: {  	s20 =	simm.s32 $0x0;
	s21 =	simm.s32 $0x0;
	[sflag:s16] =	ssyncadd.s32 $0xFFFFA000  }
.LBB2_2:
0x19: {  	s22 =	sand.u32 $0x7, s20  }
0x1a: {  	s22 =	sshll.u32 s22, $0x9  }
0x1b: {  	s22 =	sshrl.u32 s22, $0x2  }
0x1c: {  	s23 =	sshrl.u32 s21, $0x3;
	v0 =	vmov s22  }
0x1d: {  	s23 =	smul.u32 $0x6000, s23;
	_ =	sdelay $0x1  }
0x1e: {  	s23 =	sshra.s32 s23, $0x2  }
0x1f: {  	s25 =	sor.u32 $0x40, s23  }
0x20: {  	v1 =	vld.idx.msk [tilespmem:v0+s25+$0x30 ss:$0x1], $0xffff  }
0x21: {  	v2 =	vld.idx.msk [tilespmem:v0+s25+$0xFFFFFFD0 ss:$0x1], $0xffff  }
0x22: {  	v3 =	vld.idx.msk [tilespmem:v0+s25+$0xFFFFFFE0 ss:$0x1], $0xffff  }
0x23: {  	v4 =	vld.idx.msk [tilespmem:v0+s25+$0xFFFFFFF0 ss:$0x1], $0xffff  }
0x24: {  	v5 =	vld.idx.msk [tilespmem:v0+s25+$0x0 ss:$0x1], $0xffff  }
0x25: {  	s23 =	sadd.s32 $0x6000, s23;
	v6 =	vld.idx.msk [tilespmem:v0+s25+$0x10 ss:$0x1], $0xffff  }
0x26: {  	s26 =	sadd.s32 s22, s23;
	v7 =	vld.idx.msk [tilespmem:v0+s25+$0xFFFFFFC0 ss:$0x1], $0xffff  }
0x27: {  	[tilespmem:s26+$0x70] =	vst.add.f32.msk $0xffff, v1  }
0x28: {  	v1 =	vld.idx.msk [tilespmem:v0+s25+$0x20 ss:$0x1], $0xffff  }
0x29: {  	[tilespmem:s26+$0x10] =	vst.add.f32.msk $0xffff, v2  }
0x2a: {  	[tilespmem:s26+$0x20] =	vst.add.f32.msk $0xffff, v3  }
0x2b: {  	[tilespmem:s26+$0x30] =	vst.add.f32.msk $0xffff, v4  }
0x2c: {  	[tilespmem:s26+$0x40] =	vst.add.f32.msk $0xffff, v5  }
0x2d: {  	[tilespmem:s26+$0x50] =	vst.add.f32.msk $0xffff, v6  }
0x2e: {  	[tilespmem:s26+$0x0] =	vst.add.f32.msk $0xffff, v7  }
0x2f: {  	s24 =	simm.s32 $0x0;
	s25 =	sadd.s32 $0x400, s25;
	[tilespmem:s26+$0x60] =	vst.add.f32.msk $0xffff, v1  }
.LBB2_3:
0x30: {  	v1 =	vld.idx.msk [tilespmem:v0+s25+$0x30 ss:$0x1], $0xffff;
	s24 =	sadd.s32 $0x80, s24  }
0x31: {  	v2 =	vld.idx.msk [tilespmem:v0+s25+$0xFFFFFFD0 ss:$0x1], $0xffff;
	p0 =	slt.u32 s24, $0x280  }
0x32: {  	v3 =	vld.idx.msk [tilespmem:v0+s25+$0xFFFFFFE0 ss:$0x1], $0xffff  }
0x33: {  	v4 =	vld.idx.msk [tilespmem:v0+s25+$0xFFFFFFF0 ss:$0x1], $0xffff  }
0x34: {  	s23 =	sadd.s32 $0x400, s23;
	v5 =	vld.idx.msk [tilespmem:v0+s25+$0x0 ss:$0x1], $0xffff  }
0x35: {  	s26 =	sadd.s32 s22, s23;
	v6 =	vld.idx.msk [tilespmem:v0+s25+$0x10 ss:$0x1], $0xffff  }
0x36: {  	[tilespmem:s26+$0x70] =	vst.add.f32.msk $0xffff, v1  }
0x37: {  	v1 =	vld.idx.msk [tilespmem:v0+s25+$0x20 ss:$0x1], $0xffff  }
0x38: {  	v7 =	vld.idx.msk [tilespmem:v0+s25+$0xFFFFFFC0 ss:$0x1], $0xffff  }
0x39: {  	[tilespmem:s26+$0x10] =	vst.add.f32.msk $0xffff, v2  }
0x3a: {  	[tilespmem:s26+$0x20] =	vst.add.f32.msk $0xffff, v3  }
.Ltmp0:
0x3b: {  	[tilespmem:s26+$0x30] =	vst.add.f32.msk $0xffff, v4;
	(pc) =	sbr.rel @p0 .LBB2_3-.Ltmp0, $4  }
0x3c: {  	[tilespmem:s26+$0x40] =	vst.add.f32.msk $0xffff, v5  }
0x3d: {  	[tilespmem:s26+$0x50] =	vst.add.f32.msk $0xffff, v6  }
0x3e: {  	[tilespmem:s26+$0x0] =	vst.add.f32.msk $0xffff, v7  }
0x3f: {  	s25 =	sadd.s32 $0x400, s25;
	[tilespmem:s26+$0x60] =	vst.add.f32.msk $0xffff, v1  }
0x40: {  	s21 =	sadd.s32 $0x1, s21  }
0x41: {  	p0 =	sne.s32 s21, $0x20  }
.Ltmp1:
0x42: {  	_ = 	snop;
	(pc) =	sbr.rel @p0 .LBB2_2-.Ltmp1, $2  }
0x43: {  	_ =	sdelay $0x2  }
0x44: {  	s20 =	sadd.s32 $0x1, s20  }
0x45: {  	s20 =	simm.s32 $0x0  }
0x46: {  	[hbm4b:s6+s20] =	stream.linear.scatter [tilespmem:s13], [sflag:$0x3], $0x6000, $0x38;
	[tilespmem:$0x18000] =	vst v63  }
0x47: {  	_ = 	snop  }
0x48: {  	[tilespmem:s17], [sflag:$0x2] =	stream.linear.gather [hbm4b:s7+s20], $0x6000, $0x38;
	[tilespmem:$0x18000] =	vst v63  }
0x49: {  	_ =	swait.ge [sflag:s16], $0x6000  }
0x4a: {  	[sflag:s16] =	ssyncset.done $0x0  }
0x4b: {  	s21 =	simm.s32 $0x0;
	[sflag:s16] =	ssyncadd.s32 $0xFFFFA000  }
.LBB2_6:
0x4c: {  	s22 =	sand.u32 $0x7, s20  }
0x4d: {  	s22 =	sshll.u32 s22, $0x9  }
0x4e: {  	s22 =	sshrl.u32 s22, $0x2  }
0x4f: {  	s23 =	sshrl.u32 s21, $0x3;
	v0 =	vmov s22  }
0x50: {  	s23 =	smul.u32 $0x6000, s23;
	_ =	sdelay $0x1  }
0x51: {  	s23 =	sshra.s32 s23, $0x2  }
0x52: {  	s25 =	sor.u32 $0x40, s23  }
0x53: {  	v1 =	vld.idx.msk [tilespmem:v0+s25+$0x30 ss:$0x1], $0xffff  }
0x54: {  	v2 =	vld.idx.msk [tilespmem:v0+s25+$0xFFFFFFD0 ss:$0x1], $0xffff  }
0x55: {  	v3 =	vld.idx.msk [tilespmem:v0+s25+$0xFFFFFFE0 ss:$0x1], $0xffff  }
0x56: {  	v4 =	vld.idx.msk [tilespmem:v0+s25+$0xFFFFFFF0 ss:$0x1], $0xffff  }
0x57: {  	v5 =	vld.idx.msk [tilespmem:v0+s25+$0x0 ss:$0x1], $0xffff  }
0x58: {  	s23 =	sadd.s32 $0xC000, s23;
	v6 =	vld.idx.msk [tilespmem:v0+s25+$0x10 ss:$0x1], $0xffff  }
0x59: {  	s26 =	sadd.s32 s22, s23;
	v7 =	vld.idx.msk [tilespmem:v0+s25+$0xFFFFFFC0 ss:$0x1], $0xffff  }
0x5a: {  	[tilespmem:s26+$0x70] =	vst.add.f32.msk $0xffff, v1  }
0x5b: {  	v1 =	vld.idx.msk [tilespmem:v0+s25+$0x20 ss:$0x1], $0xffff  }
0x5c: {  	[tilespmem:s26+$0x10] =	vst.add.f32.msk $0xffff, v2  }
0x5d: {  	[tilespmem:s26+$0x20] =	vst.add.f32.msk $0xffff, v3  }
0x5e: {  	[tilespmem:s26+$0x30] =	vst.add.f32.msk $0xffff, v4  }
0x5f: {  	[tilespmem:s26+$0x40] =	vst.add.f32.msk $0xffff, v5  }
0x60: {  	[tilespmem:s26+$0x50] =	vst.add.f32.msk $0xffff, v6  }
0x61: {  	[tilespmem:s26+$0x0] =	vst.add.f32.msk $0xffff, v7  }
0x62: {  	s24 =	simm.s32 $0x0;
	s25 =	sadd.s32 $0x400, s25;
	[tilespmem:s26+$0x60] =	vst.add.f32.msk $0xffff, v1  }
.LBB2_7:
0x63: {  	v1 =	vld.idx.msk [tilespmem:v0+s25+$0x30 ss:$0x1], $0xffff;
	s24 =	sadd.s32 $0x80, s24  }
0x64: {  	v2 =	vld.idx.msk [tilespmem:v0+s25+$0xFFFFFFD0 ss:$0x1], $0xffff;
	p0 =	slt.u32 s24, $0x280  }
0x65: {  	v3 =	vld.idx.msk [tilespmem:v0+s25+$0xFFFFFFE0 ss:$0x1], $0xffff  }
0x66: {  	v4 =	vld.idx.msk [tilespmem:v0+s25+$0xFFFFFFF0 ss:$0x1], $0xffff  }
0x67: {  	s23 =	sadd.s32 $0x400, s23;
	v5 =	vld.idx.msk [tilespmem:v0+s25+$0x0 ss:$0x1], $0xffff  }
0x68: {  	s26 =	sadd.s32 s22, s23;
	v6 =	vld.idx.msk [tilespmem:v0+s25+$0x10 ss:$0x1], $0xffff  }
0x69: {  	[tilespmem:s26+$0x70] =	vst.add.f32.msk $0xffff, v1  }
0x6a: {  	v1 =	vld.idx.msk [tilespmem:v0+s25+$0x20 ss:$0x1], $0xffff  }
0x6b: {  	v7 =	vld.idx.msk [tilespmem:v0+s25+$0xFFFFFFC0 ss:$0x1], $0xffff  }
0x6c: {  	[tilespmem:s26+$0x10] =	vst.add.f32.msk $0xffff, v2  }
0x6d: {  	[tilespmem:s26+$0x20] =	vst.add.f32.msk $0xffff, v3  }
.Ltmp2:
0x6e: {  	[tilespmem:s26+$0x30] =	vst.add.f32.msk $0xffff, v4;
	(pc) =	sbr.rel @p0 .LBB2_7-.Ltmp2, $4  }
0x6f: {  	[tilespmem:s26+$0x40] =	vst.add.f32.msk $0xffff, v5  }
0x70: {  	[tilespmem:s26+$0x50] =	vst.add.f32.msk $0xffff, v6  }
0x71: {  	[tilespmem:s26+$0x0] =	vst.add.f32.msk $0xffff, v7  }
0x72: {  	s25 =	sadd.s32 $0x400, s25;
	[tilespmem:s26+$0x60] =	vst.add.f32.msk $0xffff, v1  }
0x73: {  	s21 =	sadd.s32 $0x1, s21  }
0x74: {  	p0 =	sne.s32 s21, $0x20  }
.Ltmp3:
0x75: {  	_ = 	snop;
	(pc) =	sbr.rel @p0 .LBB2_6-.Ltmp3, $2  }
0x76: {  	_ =	sdelay $0x2  }
0x77: {  	s20 =	sadd.s32 $0x1, s20  }
0x78: {  	s20 =	simm.s32 $0x0  }
0x79: {  	[hbm4b:s8+s20] =	stream.linear.scatter [tilespmem:s14], [sflag:$0x3], $0x6000, $0x38;
	[tilespmem:$0x18000] =	vst v63  }
0x7a: {  	_ =	swait.ge [sflag:s18], $0x6000  }
0x7b: {  	[sflag:s18] =	ssyncset.done $0x0  }
0x7c: {  	[sflag:s18] =	ssyncadd.s32 $0xFFFFA000  }
0x7d: {  	[tilespmem:s13], [sflag:$0x2] =	stream.linear.gather [hbm4b:s9+s20], $0x6000, $0x38;
	[tilespmem:$0x18000] =	vst v63  }
0x7e: {  	_ =	swait.ge [sflag:s16], $0x6000  }
0x7f: {  	[sflag:s16] =	ssyncset.done $0x0  }
0x80: {  	s21 =	simm.s32 $0x0;
	[sflag:s16] =	ssyncadd.s32 $0xFFFFA000  }
.LBB2_10:
0x81: {  	s22 =	sand.u32 $0x7, s20  }
0x82: {  	s22 =	sshll.u32 s22, $0x9  }
0x83: {  	s22 =	sshrl.u32 s22, $0x2  }
0x84: {  	s23 =	sshrl.u32 s21, $0x3;
	v0 =	vmov s22  }
0x85: {  	s23 =	smul.u32 $0x6000, s23;
	_ =	sdelay $0x1  }
0x86: {  	s23 =	sshra.s32 s23, $0x2  }
0x87: {  	s25 =	sor.u32 $0x40, s23  }
0x88: {  	v1 =	vld.idx.msk [tilespmem:v0+s25+$0x30 ss:$0x1], $0xffff  }
0x89: {  	v2 =	vld.idx.msk [tilespmem:v0+s25+$0xFFFFFFD0 ss:$0x1], $0xffff  }
0x8a: {  	v3 =	vld.idx.msk [tilespmem:v0+s25+$0xFFFFFFE0 ss:$0x1], $0xffff  }
0x8b: {  	v4 =	vld.idx.msk [tilespmem:v0+s25+$0xFFFFFFF0 ss:$0x1], $0xffff  }
0x8c: {  	v5 =	vld.idx.msk [tilespmem:v0+s25+$0x0 ss:$0x1], $0xffff  }
0x8d: {  	s23 =	sadd.s32 $0x12000, s23;
	v6 =	vld.idx.msk [tilespmem:v0+s25+$0x10 ss:$0x1], $0xffff  }
0x8e: {  	s26 =	sadd.s32 s22, s23;
	v7 =	vld.idx.msk [tilespmem:v0+s25+$0xFFFFFFC0 ss:$0x1], $0xffff  }
0x8f: {  	[tilespmem:s26+$0x70] =	vst.add.f32.msk $0xffff, v1  }
0x90: {  	v1 =	vld.idx.msk [tilespmem:v0+s25+$0x20 ss:$0x1], $0xffff  }
0x91: {  	[tilespmem:s26+$0x10] =	vst.add.f32.msk $0xffff, v2  }
0x92: {  	[tilespmem:s26+$0x20] =	vst.add.f32.msk $0xffff, v3  }
0x93: {  	[tilespmem:s26+$0x30] =	vst.add.f32.msk $0xffff, v4  }
0x94: {  	[tilespmem:s26+$0x40] =	vst.add.f32.msk $0xffff, v5  }
0x95: {  	[tilespmem:s26+$0x50] =	vst.add.f32.msk $0xffff, v6  }
0x96: {  	[tilespmem:s26+$0x0] =	vst.add.f32.msk $0xffff, v7  }
0x97: {  	s24 =	simm.s32 $0x0;
	s25 =	sadd.s32 $0x400, s25;
	[tilespmem:s26+$0x60] =	vst.add.f32.msk $0xffff, v1  }
.LBB2_11:
0x98: {  	v1 =	vld.idx.msk [tilespmem:v0+s25+$0x30 ss:$0x1], $0xffff;
	s24 =	sadd.s32 $0x80, s24  }
0x99: {  	v2 =	vld.idx.msk [tilespmem:v0+s25+$0xFFFFFFD0 ss:$0x1], $0xffff;
	p0 =	slt.u32 s24, $0x280  }
0x9a: {  	v3 =	vld.idx.msk [tilespmem:v0+s25+$0xFFFFFFE0 ss:$0x1], $0xffff  }
0x9b: {  	v4 =	vld.idx.msk [tilespmem:v0+s25+$0xFFFFFFF0 ss:$0x1], $0xffff  }
0x9c: {  	s23 =	sadd.s32 $0x400, s23;
	v5 =	vld.idx.msk [tilespmem:v0+s25+$0x0 ss:$0x1], $0xffff  }
0x9d: {  	s26 =	sadd.s32 s22, s23;
	v6 =	vld.idx.msk [tilespmem:v0+s25+$0x10 ss:$0x1], $0xffff  }
0x9e: {  	[tilespmem:s26+$0x70] =	vst.add.f32.msk $0xffff, v1  }
0x9f: {  	v1 =	vld.idx.msk [tilespmem:v0+s25+$0x20 ss:$0x1], $0xffff  }
0xa0: {  	v7 =	vld.idx.msk [tilespmem:v0+s25+$0xFFFFFFC0 ss:$0x1], $0xffff  }
0xa1: {  	[tilespmem:s26+$0x10] =	vst.add.f32.msk $0xffff, v2  }
0xa2: {  	[tilespmem:s26+$0x20] =	vst.add.f32.msk $0xffff, v3  }
.Ltmp4:
0xa3: {  	[tilespmem:s26+$0x30] =	vst.add.f32.msk $0xffff, v4;
	(pc) =	sbr.rel @p0 .LBB2_11-.Ltmp4, $4  }
0xa4: {  	[tilespmem:s26+$0x40] =	vst.add.f32.msk $0xffff, v5  }
0xa5: {  	[tilespmem:s26+$0x50] =	vst.add.f32.msk $0xffff, v6  }
0xa6: {  	[tilespmem:s26+$0x0] =	vst.add.f32.msk $0xffff, v7  }
0xa7: {  	s25 =	sadd.s32 $0x400, s25;
	[tilespmem:s26+$0x60] =	vst.add.f32.msk $0xffff, v1  }
0xa8: {  	s21 =	sadd.s32 $0x1, s21  }
0xa9: {  	p0 =	sne.s32 s21, $0x20  }
.Ltmp5:
0xaa: {  	_ = 	snop;
	(pc) =	sbr.rel @p0 .LBB2_10-.Ltmp5, $2  }
0xab: {  	_ =	sdelay $0x2  }
0xac: {  	s20 =	sadd.s32 $0x1, s20  }
0xad: {  	s20 =	simm.s32 $0x0  }
0xae: {  	[hbm4b:s10+s20] =	stream.linear.scatter [tilespmem:s17], [sflag:$0x3], $0x6000, $0x38;
	[tilespmem:$0x18000] =	vst v63  }
0xaf: {  	_ =	swait.ge [sflag:s16], $0x6000  }
0xb0: {  	[sflag:s16] =	ssyncset.done $0x0  }
0xb1: {  	s21 =	simm.s32 $0x0;
	[sflag:s16] =	ssyncadd.s32 $0xFFFFA000  }
.LBB2_14:
0xb2: {  	s22 =	sand.u32 $0x7, s20  }
0xb3: {  	s22 =	sshll.u32 s22, $0x9  }
0xb4: {  	s22 =	sshrl.u32 s22, $0x2  }
0xb5: {  	s23 =	sshrl.u32 s21, $0x3;
	v0 =	vmov s22  }
0xb6: {  	s23 =	smul.u32 $0x6000, s23;
	_ =	sdelay $0x1  }
0xb7: {  	s23 =	sshra.s32 s23, $0x2  }
0xb8: {  	s25 =	sor.u32 $0x40, s23  }
0xb9: {  	v1 =	vld.idx.msk [tilespmem:v0+s25+$0x30 ss:$0x1], $0xffff  }
0xba: {  	v2 =	vld.idx.msk [tilespmem:v0+s25+$0xFFFFFFD0 ss:$0x1], $0xffff  }
0xbb: {  	v3 =	vld.idx.msk [tilespmem:v0+s25+$0xFFFFFFE0 ss:$0x1], $0xffff  }
0xbc: {  	v4 =	vld.idx.msk [tilespmem:v0+s25+$0xFFFFFFF0 ss:$0x1], $0xffff  }
0xbd: {  	v5 =	vld.idx.msk [tilespmem:v0+s25+$0x0 ss:$0x1], $0xffff  }
0xbe: {  	s23 =	sadd.s32 $0x6000, s23;
	v6 =	vld.idx.msk [tilespmem:v0+s25+$0x10 ss:$0x1], $0xffff  }
0xbf: {  	s26 =	sadd.s32 s22, s23;
	v7 =	vld.idx.msk [tilespmem:v0+s25+$0xFFFFFFC0 ss:$0x1], $0xffff  }
0xc0: {  	[tilespmem:s26+$0x70] =	vst.add.f32.msk $0xffff, v1  }
0xc1: {  	v1 =	vld.idx.msk [tilespmem:v0+s25+$0x20 ss:$0x1], $0xffff  }
0xc2: {  	[tilespmem:s26+$0x10] =	vst.add.f32.msk $0xffff, v2  }
0xc3: {  	[tilespmem:s26+$0x20] =	vst.add.f32.msk $0xffff, v3  }
0xc4: {  	[tilespmem:s26+$0x30] =	vst.add.f32.msk $0xffff, v4  }
0xc5: {  	[tilespmem:s26+$0x40] =	vst.add.f32.msk $0xffff, v5  }
0xc6: {  	[tilespmem:s26+$0x50] =	vst.add.f32.msk $0xffff, v6  }
0xc7: {  	[tilespmem:s26+$0x0] =	vst.add.f32.msk $0xffff, v7  }
0xc8: {  	s24 =	simm.s32 $0x0;
	s25 =	sadd.s32 $0x400, s25;
	[tilespmem:s26+$0x60] =	vst.add.f32.msk $0xffff, v1  }
.LBB2_15:
0xc9: {  	v1 =	vld.idx.msk [tilespmem:v0+s25+$0x30 ss:$0x1], $0xffff;
	s24 =	sadd.s32 $0x80, s24  }
0xca: {  	v2 =	vld.idx.msk [tilespmem:v0+s25+$0xFFFFFFD0 ss:$0x1], $0xffff;
	p0 =	slt.u32 s24, $0x280  }
0xcb: {  	v3 =	vld.idx.msk [tilespmem:v0+s25+$0xFFFFFFE0 ss:$0x1], $0xffff  }
0xcc: {  	v4 =	vld.idx.msk [tilespmem:v0+s25+$0xFFFFFFF0 ss:$0x1], $0xffff  }
0xcd: {  	s23 =	sadd.s32 $0x400, s23;
	v5 =	vld.idx.msk [tilespmem:v0+s25+$0x0 ss:$0x1], $0xffff  }
0xce: {  	s26 =	sadd.s32 s22, s23;
	v6 =	vld.idx.msk [tilespmem:v0+s25+$0x10 ss:$0x1], $0xffff  }
0xcf: {  	[tilespmem:s26+$0x70] =	vst.add.f32.msk $0xffff, v1  }
0xd0: {  	v1 =	vld.idx.msk [tilespmem:v0+s25+$0x20 ss:$0x1], $0xffff  }
0xd1: {  	v7 =	vld.idx.msk [tilespmem:v0+s25+$0xFFFFFFC0 ss:$0x1], $0xffff  }
0xd2: {  	[tilespmem:s26+$0x10] =	vst.add.f32.msk $0xffff, v2  }
0xd3: {  	[tilespmem:s26+$0x20] =	vst.add.f32.msk $0xffff, v3  }
.Ltmp6:
0xd4: {  	[tilespmem:s26+$0x30] =	vst.add.f32.msk $0xffff, v4;
	(pc) =	sbr.rel @p0 .LBB2_15-.Ltmp6, $4  }
0xd5: {  	[tilespmem:s26+$0x40] =	vst.add.f32.msk $0xffff, v5  }
0xd6: {  	[tilespmem:s26+$0x50] =	vst.add.f32.msk $0xffff, v6  }
0xd7: {  	[tilespmem:s26+$0x0] =	vst.add.f32.msk $0xffff, v7  }
0xd8: {  	s25 =	sadd.s32 $0x400, s25;
	[tilespmem:s26+$0x60] =	vst.add.f32.msk $0xffff, v1  }
0xd9: {  	s21 =	sadd.s32 $0x1, s21  }
0xda: {  	p0 =	sne.s32 s21, $0x20  }
.Ltmp7:
0xdb: {  	_ = 	snop;
	(pc) =	sbr.rel @p0 .LBB2_14-.Ltmp7, $2  }
0xdc: {  	_ =	sdelay $0x2  }
0xdd: {  	s20 =	sadd.s32 $0x1, s20  }
0xde: {  	[hbm4b:s11+s2] =	stream.linear.scatter [tilespmem:s13], [sflag:$0x3], $0x6000, $0x38;
	[tilespmem:$0x18000] =	vst v63  }
0xdf: {  	_ =	swait.ge [sflag:s18], $0x6000  }
0xe0: {  	[sflag:s18] =	ssyncset.done $0x0  }
0xe1: {  	s19 =	sadd.s32 $0x1, s19;
	[sflag:s18] =	ssyncadd.s32 $0xFFFFA000  }
0xe2: {  	p0 =	sne.s32 s19, s12;
	_ =	swait.ge [sflag:s18], $0x6000  }
.Ltmp8:
0xe3: {  	[sflag:s18] =	ssyncset.done $0x0;
	(pc) =	sbr.rel @p0 .LBB2_1-.Ltmp8, $4  }
0xe4: {  	[sflag:s18] =	ssyncadd.s32 $0xFFFFA000  }
0xe5: {  	_ =	swait.ge [sflag:s18], $0x6000  }
0xe6: {  	[sflag:s18] =	ssyncset.done $0x0  }
0xe7: {  	[sflag:s18] =	ssyncadd.s32 $0xFFFFA000  }
0xe8: {  	_ =	sfence.sel $0x180000  }
0xe9: {  	[bflag:$0x0] =	sbarrier.arrive $0xFFFF  }
0xea: {  	p0 =	sne.s32 s0, $0x0;
	_ =	strace $0x90000047  }
0xeb: {  	s0 =	sadd.s32 @!p0 $0x100000, s1;
	[bflag:$0x2] =	sbarrier.arrive $0xFFFF  }
0xec: {  	[sflag:s0] =	ssyncadd.tile.s32 @!p0 $0x1;
	_ =	shalt  }
.Lfunc_end2:
_tile_overlayer_lowered:
.L_overlay_start_2:
0xed: {  	(tag) =	ssettag $0x2  }
0xee: {  	s0 =	rddreg [dreg:$0x0];
	s2 =	stileid.u32  }
0xef: {  	s1 =	rddreg [dreg:$0x1];
	p0 =	sne.s32 s2, $0x0  }
0xf0: {  	s3 =	rddreg [dreg:$0x2];
	[bflag:$0x3] =	sbarrier.arrive $0xFFFF;
	s2 =	simm.s32 @!p0 $0x1C04  }
0xf1: {  	[timem:s3], [sflag:s2] =	dma.local @!p0 [hbm:s0], s1  }
0xf2: {  	s0 =	simm.s32 @!p0 $0x4  }
0xf3: {  	_ =	swait.ge @!p0 [sflag:s0], s1  }
0xf4: {  	s1 =	ssub.s32 @!p0 $0x0, s1;
	[sflag:s0] =	ssyncset.done @!p0 $0x0  }
0xf5: {  	[sflag:s0] =	ssyncadd.s32 @!p0 s1  }
0xf6: {  	[bflag:$0x3] =	sbarrier.arrive $0xFFFF  }
0xf7: {  	_ =	shalt  }

</sc_bundles>
